<compile_context>
chip_gen: v7x
topology: tpu7x:2x2x1
jax: 0.10.2.dev20260603
libtpu: 0.0.44.dev20260713+nightly
codegen_flags: <defaults>
</compile_context>

<pallas_src>
import functools

import jax
import jax.numpy as jnp
from jax import lax
from jax.experimental import pallas as pl
from jax.experimental.pallas import tpu as pltpu
from jax.experimental.pallas import tpu_sc as plsc

N_NODES = 10000
N_EDGES = 320000
D = 128

NC = 2
NS = 16
NW = NC * NS
EDGES_PER_W = N_EDGES // NW
SUB = 200
N_SUB = EDGES_PER_W // SUB
N_TRIPLES = (N_SUB - 2) // 3


def _mm_bias_kernel(h_ref, w_ref, b_ref, t_ref):
    w1 = w_ref[:, :D]
    t_ref[...] = (
        lax.dot_general(
            h_ref[...], w1, (((1,), (1,)), ((), ())),
            preferred_element_type=jnp.float32,
        )
        + b_ref[...]
    )


def _node_transform(H, W, b2d):
    return pl.pallas_call(
        _mm_bias_kernel,
        out_shape=jax.ShapeDtypeStruct((N_NODES, D), jnp.float32),
    )(H, W, b2d)


def _sc_gather_body(
    table_hbm, idx_hbm, out_hbm, idx_all, rows0, rows1, rows2,
    gsem0, gsem1, gsem2, osem0, osem1, osem2,
):
    wid = lax.axis_index("s") * NC + lax.axis_index("c")
    base = wid * EDGES_PER_W

    rows = (rows0, rows1, rows2)
    gsems = (gsem0, gsem1, gsem2)
    osems = (osem0, osem1, osem2)

    pltpu.sync_copy(idx_hbm.at[pl.ds(base, EDGES_PER_W)], idx_all)

    def idx_slice(c):
        return idx_all.at[pl.ds(c * SUB, SUB)]

    def out_slice(c):
        return out_hbm.at[pl.ds(base + c * SUB, SUB)]

    def g_start(c, b):
        pltpu.async_copy(table_hbm.at[idx_slice(c)], rows[b], gsems[b])

    def g_wait(c, b):
        pltpu.make_async_copy(table_hbm.at[idx_slice(c)], rows[b], gsems[b]).wait()

    def s_start(c, b):
        pltpu.async_copy(rows[b], out_slice(c), osems[b])

    def s_wait(c, b):
        pltpu.make_async_copy(rows[b], out_slice(c), osems[b]).wait()

    g_start(0, 0)
    g_start(1, 1)
    g_wait(0, 0)
    s_start(0, 0)
    g_start(2, 2)
    g_wait(1, 1)
    s_start(1, 1)
    s_wait(0, 0)
    g_start(3, 0)

    def triple(j, carry):
        c = 3 * j + 2
        g_wait(c, 2)
        s_start(c, 2)
        s_wait(c - 1, 1)
        g_start(c + 2, 1)
        g_wait(c + 1, 0)
        s_start(c + 1, 0)
        s_wait(c, 2)
        g_start(c + 3, 2)
        g_wait(c + 2, 1)
        s_start(c + 2, 1)
        s_wait(c + 1, 0)
        g_start(c + 4, 0)
        return carry

    lax.fori_loop(0, N_TRIPLES - 1, triple, 0)

    c = N_SUB - 3
    g_wait(c, 2)
    s_start(c, 2)
    s_wait(c - 1, 1)
    g_start(c + 2, 1)
    g_wait(c + 1, 0)
    s_start(c + 1, 0)
    s_wait(c, 2)
    g_wait(c + 2, 1)
    s_start(c + 2, 1)
    s_wait(c + 1, 0)
    s_wait(c + 2, 1)


def _sc_gather(table, heads):
    mesh = plsc.VectorSubcoreMesh(core_axis_name="c", subcore_axis_name="s")
    k = functools.partial(
        pl.kernel,
        mesh=mesh,
        out_type=jax.ShapeDtypeStruct((N_EDGES, D), jnp.float32),
        scratch_types=[
            pltpu.VMEM((EDGES_PER_W,), jnp.int32),
            pltpu.VMEM((SUB, D), jnp.float32),
            pltpu.VMEM((SUB, D), jnp.float32),
            pltpu.VMEM((SUB, D), jnp.float32),
            pltpu.SemaphoreType.DMA,
            pltpu.SemaphoreType.DMA,
            pltpu.SemaphoreType.DMA,
            pltpu.SemaphoreType.DMA,
            pltpu.SemaphoreType.DMA,
            pltpu.SemaphoreType.DMA,
        ],
    )(_sc_gather_body)
    return k(table, heads)


def _add_mm_kernel(g_ref, e_ref, w_ref, o_ref):
    w2 = w_ref[:, D:]
    o_ref[...] = g_ref[...] + lax.dot_general(
        e_ref[...], w2, (((1,), (1,)), ((), ())),
        preferred_element_type=jnp.float32,
    )


def _edge_transform(G, E, W, blk):
    n_blocks = N_EDGES // blk
    return pl.pallas_call(
        _add_mm_kernel,
        grid=(n_blocks,),
        in_specs=[
            pl.BlockSpec((blk, D), lambda i: (i, 0)),
            pl.BlockSpec((blk, D), lambda i: (i, 0)),
            pl.BlockSpec((D, 2 * D), lambda i: (0, 0)),
        ],
        out_specs=pl.BlockSpec((blk, D), lambda i: (i, 0)),
        out_shape=jax.ShapeDtypeStruct((N_EDGES, D), jnp.float32),
    )(G, E, W)


@jax.jit
def kernel(H, E, heads, queries, W, b):
    b2d = b.reshape(1, D)
    T = _node_transform(H, W, b2d)
    G = _sc_gather(T, heads.astype(jnp.int32))
    return _edge_transform(G, E, W, blk=8000)

# --- scband reference (transcript-rebuilt; emitter-appended) ---
"""Pipeline reference for scband-message-calculation-layer-42554535969575 (READ-ONLY COPY).

The authoritative reference and input builder live on the scoring server;
editing this copy changes nothing except your own understanding.
"""

import jax, jax.numpy as jnp
import numpy as np

N_NODES = 10000
N_EDGES = 320000
EMBED_DIM = 128

def setup_inputs(seed: int = 0) -> dict:
    key = jax.random.key(seed)
    k1, k2, k3, k4, k5, k6 = jax.random.split(key, 6)
    H = jax.random.normal(k1, (N_NODES, EMBED_DIM), dtype=jnp.float32)
    E = jax.random.normal(k2, (N_EDGES, EMBED_DIM), dtype=jnp.float32)
    heads = jax.random.randint(k3, (N_EDGES,), 0, N_NODES, dtype=jnp.int64 if jax.config.jax_enable_x64 else jnp.int32)
    queries = jax.random.normal(k4, (N_EDGES, EMBED_DIM), dtype=jnp.float32)
    # nn.Linear(2*embed_dim, embed_dim): weight [out, in], bias [out]
    bound = 1.0 / np.sqrt(2 * EMBED_DIM)
    W = jax.random.uniform(k5, (EMBED_DIM, 2 * EMBED_DIM), dtype=jnp.float32, minval=-bound, maxval=bound)
    b = jax.random.uniform(k6, (EMBED_DIM,), dtype=jnp.float32, minval=-bound, maxval=bound)
    return {"H": H, "E": E, "heads": heads, "queries": queries, "W": W, "b": b}

def reference(H, E, heads, queries, W, b):
    # H_heads = H[heads]  (gather)
    H_heads = jnp.take(H, heads, axis=0)
    raw_messages = jnp.concatenate([H_heads, E], axis=1)
    # nn.Linear: x @ W.T + b
    messages = raw_messages @ W.T + b
    # message_weighting_function is None -> return messages directly (queries unused)
    return messages

if __name__ == "__main__":
    import jax
    _d = setup_inputs()
    print(jax.jit(kernel)(*tuple(_d.values())))

</pallas_src>

<mosaic_0001>
#map = affine_map<(d0, d1) -> (0, 0)>
#map1 = affine_map<(d0, d1) -> (0)>
module attributes {stable_mosaic.version = 14 : i64} {
  func.func @_sc_gather_body(%arg0: i32, %arg1: i32, %arg2: memref<10000x128xf32, #tpu.memory_space<hbm>>, %arg3: memref<320000xi32, #tpu.memory_space<hbm>>, %arg4: memref<320000x128xf32, #tpu.memory_space<hbm>>, %arg5: memref<10000xi32, #tpu.memory_space<vmem>>, %arg6: memref<200x128xf32, #tpu.memory_space<vmem>>, %arg7: memref<200x128xf32, #tpu.memory_space<vmem>>, %arg8: memref<200x128xf32, #tpu.memory_space<vmem>>, %arg9: memref<!tpu.dma_semaphore, #tpu.memory_space<semaphore_mem>>, %arg10: memref<!tpu.dma_semaphore, #tpu.memory_space<semaphore_mem>>, %arg11: memref<!tpu.dma_semaphore, #tpu.memory_space<semaphore_mem>>, %arg12: memref<!tpu.dma_semaphore, #tpu.memory_space<semaphore_mem>>, %arg13: memref<!tpu.dma_semaphore, #tpu.memory_space<semaphore_mem>>, %arg14: memref<!tpu.dma_semaphore, #tpu.memory_space<semaphore_mem>>) attributes {dimension_semantics = [#tpu.dimension_semantics<core_parallel>, #tpu.dimension_semantics<subcore_parallel>], iteration_bounds = array<i64: 2, 16>, scalar_prefetch = 0 : i64, scratch_operands = 10 : i64, tpu.core_type = #tpu.core_type<sc_vector_subcore>, window_params = [{transform_indices = #map}, {transform_indices = #map1}, {transform_indices = #map}]} {
    %mul3A = arith.constant 2 : i32
    %mul3A_0 = arith.muli %arg1, %mul3A : i32
    %add3A = arith.addi %mul3A_0, %arg0 : i32
    %mul3A_1 = arith.constant 10000 : i32
    %mul3A_2 = arith.muli %add3A, %mul3A_1 : i32
    "tpu.region"() ({
      %run_scoped3A = tpu.sem_alloc : memref<!tpu.dma_semaphore, #tpu.memory_space<semaphore_mem>>
      %dma_start3A_116 = tpu.memref_slice %arg3[%mul3A_2] : memref<320000xi32, #tpu.memory_space<hbm>> -> memref<10000xi32, #tpu.memory_space<hbm>>
      %dma_start3A_117 = tpu.memref_slice %arg3[%mul3A_2] : memref<320000xi32, #tpu.memory_space<hbm>> -> memref<10000xi32, #tpu.memory_space<hbm>>
      tpu.enqueue_dma source(%dma_start3A_117 : memref<10000xi32, #tpu.memory_space<hbm>>) target(%arg5 : memref<10000xi32, #tpu.memory_space<vmem>>) target_semaphore(%run_scoped3A : memref<!tpu.dma_semaphore, #tpu.memory_space<semaphore_mem>>)
      %dma_wait3A_118 = tpu.memref_slice %arg3[%mul3A_2] : memref<320000xi32, #tpu.memory_space<hbm>> -> memref<10000xi32, #tpu.memory_space<hbm>>
      %dma_wait3A_119 = tpu.memref_slice %arg3[%mul3A_2] : memref<320000xi32, #tpu.memory_space<hbm>> -> memref<10000xi32, #tpu.memory_space<hbm>>
      tpu.wait_dma2 semaphore(%run_scoped3A : memref<!tpu.dma_semaphore, #tpu.memory_space<semaphore_mem>>) src(%dma_wait3A_119 : memref<10000xi32, #tpu.memory_space<hbm>>) dst(%arg5 : memref<10000xi32, #tpu.memory_space<vmem>>)
      tpu.yield
    }) : () -> ()
    %dma_start3A = arith.constant 0 : i32
    %dma_start3A_3 = tpu.memref_slice %arg5[%dma_start3A] : memref<10000xi32, #tpu.memory_space<vmem>> -> memref<200xi32, #tpu.memory_space<vmem>>
    %dma_start3A_4 = arith.constant 0 : i32
    %dma_start3A_5 = arith.constant 0 : i32
    %dma_start3A_6 = tpu.memref_slice %arg2[%dma_start3A_4, %dma_start3A_5] : memref<10000x128xf32, #tpu.memory_space<hbm>> -> memref<10000x128xf32, #tpu.memory_space<hbm>>
    tpu.enqueue_indirect_dma source(%dma_start3A_6 : memref<10000x128xf32, #tpu.memory_space<hbm>>) target(%arg6 : memref<200x128xf32, #tpu.memory_space<vmem>>) offsets(%dma_start3A_3 : memref<200xi32, #tpu.memory_space<vmem>>) semaphore(%arg9 : memref<!tpu.dma_semaphore, #tpu.memory_space<semaphore_mem>>)
    %dma_start3A_7 = arith.constant 200 : i32
    %dma_start3A_8 = tpu.memref_slice %arg5[%dma_start3A_7] : memref<10000xi32, #tpu.memory_space<vmem>> -> memref<200xi32, #tpu.memory_space<vmem>>
    %dma_start3A_9 = arith.constant 0 : i32
    %dma_start3A_10 = arith.constant 0 : i32
    %dma_start3A_11 = tpu.memref_slice %arg2[%dma_start3A_9, %dma_start3A_10] : memref<10000x128xf32, #tpu.memory_space<hbm>> -> memref<10000x128xf32, #tpu.memory_space<hbm>>
    tpu.enqueue_indirect_dma source(%dma_start3A_11 : memref<10000x128xf32, #tpu.memory_space<hbm>>) target(%arg7 : memref<200x128xf32, #tpu.memory_space<vmem>>) offsets(%dma_start3A_8 : memref<200xi32, #tpu.memory_space<vmem>>) semaphore(%arg10 : memref<!tpu.dma_semaphore, #tpu.memory_space<semaphore_mem>>)
    %dma_wait3A = arith.constant 0 : i32
    %dma_wait3A_12 = tpu.memref_slice %arg5[%dma_wait3A] : memref<10000xi32, #tpu.memory_space<vmem>> -> memref<200xi32, #tpu.memory_space<vmem>>
    %dma_wait3A_13 = arith.constant 0 : i32
    %dma_wait3A_14 = arith.constant 0 : i32
    %dma_wait3A_15 = tpu.memref_slice %arg2[%dma_wait3A_13, %dma_wait3A_14] : memref<10000x128xf32, #tpu.memory_space<hbm>> -> memref<10000x128xf32, #tpu.memory_space<hbm>>
    tpu.wait_indirect_dma semaphore(%arg9 : memref<!tpu.dma_semaphore, #tpu.memory_space<semaphore_mem>>) src(%dma_wait3A_15 : memref<10000x128xf32, #tpu.memory_space<hbm>>) dst(%arg6 : memref<200x128xf32, #tpu.memory_space<vmem>>)
    %add3A_16 = arith.constant 0 : i32
    %add3A_17 = arith.addi %mul3A_2, %add3A_16 : i32
    %dma_start3A_18 = arith.constant 0 : i32
    %dma_start3A_19 = tpu.memref_slice %arg4[%add3A_17, %dma_start3A_18] : memref<320000x128xf32, #tpu.memory_space<hbm>> -> memref<200x128xf32, #tpu.memory_space<hbm>>
    %dma_start3A_20 = arith.constant 0 : i32
    %dma_start3A_21 = tpu.memref_slice %arg4[%add3A_17, %dma_start3A_20] : memref<320000x128xf32, #tpu.memory_space<hbm>> -> memref<200x128xf32, #tpu.memory_space<hbm>>
    tpu.enqueue_dma source(%arg6 : memref<200x128xf32, #tpu.memory_space<vmem>>) target(%dma_start3A_21 : memref<200x128xf32, #tpu.memory_space<hbm>>) target_semaphore(%arg12 : memref<!tpu.dma_semaphore, #tpu.memory_space<semaphore_mem>>)
    %dma_start3A_22 = arith.constant 400 : i32
    %dma_start3A_23 = tpu.memref_slice %arg5[%dma_start3A_22] : memref<10000xi32, #tpu.memory_space<vmem>> -> memref<200xi32, #tpu.memory_space<vmem>>
    %dma_start3A_24 = arith.constant 0 : i32
    %dma_start3A_25 = arith.constant 0 : i32
    %dma_start3A_26 = tpu.memref_slice %arg2[%dma_start3A_24, %dma_start3A_25] : memref<10000x128xf32, #tpu.memory_space<hbm>> -> memref<10000x128xf32, #tpu.memory_space<hbm>>
    tpu.enqueue_indirect_dma source(%dma_start3A_26 : memref<10000x128xf32, #tpu.memory_space<hbm>>) target(%arg8 : memref<200x128xf32, #tpu.memory_space<vmem>>) offsets(%dma_start3A_23 : memref<200xi32, #tpu.memory_space<vmem>>) semaphore(%arg11 : memref<!tpu.dma_semaphore, #tpu.memory_space<semaphore_mem>>)
    %dma_wait3A_27 = arith.constant 200 : i32
    %dma_wait3A_28 = tpu.memref_slice %arg5[%dma_wait3A_27] : memref<10000xi32, #tpu.memory_space<vmem>> -> memref<200xi32, #tpu.memory_space<vmem>>
    %dma_wait3A_29 = arith.constant 0 : i32
    %dma_wait3A_30 = arith.constant 0 : i32
    %dma_wait3A_31 = tpu.memref_slice %arg2[%dma_wait3A_29, %dma_wait3A_30] : memref<10000x128xf32, #tpu.memory_space<hbm>> -> memref<10000x128xf32, #tpu.memory_space<hbm>>
    tpu.wait_indirect_dma semaphore(%arg10 : memref<!tpu.dma_semaphore, #tpu.memory_space<semaphore_mem>>) src(%dma_wait3A_31 : memref<10000x128xf32, #tpu.memory_space<hbm>>) dst(%arg7 : memref<200x128xf32, #tpu.memory_space<vmem>>)
    %add3A_32 = arith.constant 200 : i32
    %add3A_33 = arith.addi %mul3A_2, %add3A_32 : i32
    %dma_start3A_34 = arith.constant 0 : i32
    %dma_start3A_35 = tpu.memref_slice %arg4[%add3A_33, %dma_start3A_34] : memref<320000x128xf32, #tpu.memory_space<hbm>> -> memref<200x128xf32, #tpu.memory_space<hbm>>
    %dma_start3A_36 = arith.constant 0 : i32
    %dma_start3A_37 = tpu.memref_slice %arg4[%add3A_33, %dma_start3A_36] : memref<320000x128xf32, #tpu.memory_space<hbm>> -> memref<200x128xf32, #tpu.memory_space<hbm>>
    tpu.enqueue_dma source(%arg7 : memref<200x128xf32, #tpu.memory_space<vmem>>) target(%dma_start3A_37 : memref<200x128xf32, #tpu.memory_space<hbm>>) target_semaphore(%arg13 : memref<!tpu.dma_semaphore, #tpu.memory_space<semaphore_mem>>)
    %add3A_38 = arith.constant 0 : i32
    %add3A_39 = arith.addi %mul3A_2, %add3A_38 : i32
    %dma_wait3A_40 = arith.constant 0 : i32
    %dma_wait3A_41 = tpu.memref_slice %arg4[%add3A_39, %dma_wait3A_40] : memref<320000x128xf32, #tpu.memory_space<hbm>> -> memref<200x128xf32, #tpu.memory_space<hbm>>
    %dma_wait3A_42 = arith.constant 0 : i32
    %dma_wait3A_43 = tpu.memref_slice %arg4[%add3A_39, %dma_wait3A_42] : memref<320000x128xf32, #tpu.memory_space<hbm>> -> memref<200x128xf32, #tpu.memory_space<hbm>>
    tpu.wait_dma2 semaphore(%arg12 : memref<!tpu.dma_semaphore, #tpu.memory_space<semaphore_mem>>) src(%arg6 : memref<200x128xf32, #tpu.memory_space<vmem>>) dst(%dma_wait3A_43 : memref<200x128xf32, #tpu.memory_space<hbm>>)
    %dma_start3A_44 = arith.constant 600 : i32
    %dma_start3A_45 = tpu.memref_slice %arg5[%dma_start3A_44] : memref<10000xi32, #tpu.memory_space<vmem>> -> memref<200xi32, #tpu.memory_space<vmem>>
    %dma_start3A_46 = arith.constant 0 : i32
    %dma_start3A_47 = arith.constant 0 : i32
    %dma_start3A_48 = tpu.memref_slice %arg2[%dma_start3A_46, %dma_start3A_47] : memref<10000x128xf32, #tpu.memory_space<hbm>> -> memref<10000x128xf32, #tpu.memory_space<hbm>>
    tpu.enqueue_indirect_dma source(%dma_start3A_48 : memref<10000x128xf32, #tpu.memory_space<hbm>>) target(%arg6 : memref<200x128xf32, #tpu.memory_space<vmem>>) offsets(%dma_start3A_45 : memref<200xi32, #tpu.memory_space<vmem>>) semaphore(%arg9 : memref<!tpu.dma_semaphore, #tpu.memory_space<semaphore_mem>>)
    %scan3A = arith.constant 0 : i32
    %scan3A_49 = arith.constant 0 : i32
    %scan3A_50 = arith.constant 15 : i32
    %scan3A_51 = arith.addi %scan3A_49, %scan3A_50 : i32
    %scan3A_52 = arith.constant 1 : i32
    scf.for %scan3A_116 = %scan3A_49 to %scan3A_51 step %scan3A_52  : i32 {
      %mul3A_117 = arith.constant 3 : i32
      %mul3A_118 = arith.muli %mul3A_117, %scan3A_116 : i32
      %add3A_119 = arith.constant 2 : i32
      %add3A_120 = arith.addi %mul3A_118, %add3A_119 : i32
      %mul3A_121 = arith.constant 200 : i32
      %mul3A_122 = arith.muli %add3A_120, %mul3A_121 : i32
      %dma_wait3A_123 = tpu.memref_slice %arg5[%mul3A_122] : memref<10000xi32, #tpu.memory_space<vmem>> -> memref<200xi32, #tpu.memory_space<vmem>>
      %dma_wait3A_124 = arith.constant 0 : i32
      %dma_wait3A_125 = arith.constant 0 : i32
      %dma_wait3A_126 = tpu.memref_slice %arg2[%dma_wait3A_124, %dma_wait3A_125] : memref<10000x128xf32, #tpu.memory_space<hbm>> -> memref<10000x128xf32, #tpu.memory_space<hbm>>
      tpu.wait_indirect_dma semaphore(%arg11 : memref<!tpu.dma_semaphore, #tpu.memory_space<semaphore_mem>>) src(%dma_wait3A_126 : memref<10000x128xf32, #tpu.memory_space<hbm>>) dst(%arg8 : memref<200x128xf32, #tpu.memory_space<vmem>>)
      %mul3A_127 = arith.constant 200 : i32
      %mul3A_128 = arith.muli %add3A_120, %mul3A_127 : i32
      %add3A_129 = arith.addi %mul3A_2, %mul3A_128 : i32
      %dma_start3A_130 = arith.constant 0 : i32
      %dma_start3A_131 = tpu.memref_slice %arg4[%add3A_129, %dma_start3A_130] : memref<320000x128xf32, #tpu.memory_space<hbm>> -> memref<200x128xf32, #tpu.memory_space<hbm>>
      %dma_start3A_132 = arith.constant 0 : i32
      %dma_start3A_133 = tpu.memref_slice %arg4[%add3A_129, %dma_start3A_132] : memref<320000x128xf32, #tpu.memory_space<hbm>> -> memref<200x128xf32, #tpu.memory_space<hbm>>
      tpu.enqueue_dma source(%arg8 : memref<200x128xf32, #tpu.memory_space<vmem>>) target(%dma_start3A_133 : memref<200x128xf32, #tpu.memory_space<hbm>>) target_semaphore(%arg14 : memref<!tpu.dma_semaphore, #tpu.memory_space<semaphore_mem>>)
      %sub3A = arith.constant 1 : i32
      %sub3A_134 = arith.subi %add3A_120, %sub3A : i32
      %mul3A_135 = arith.constant 200 : i32
      %mul3A_136 = arith.muli %sub3A_134, %mul3A_135 : i32
      %add3A_137 = arith.addi %mul3A_2, %mul3A_136 : i32
      %dma_wait3A_138 = arith.constant 0 : i32
      %dma_wait3A_139 = tpu.memref_slice %arg4[%add3A_137, %dma_wait3A_138] : memref<320000x128xf32, #tpu.memory_space<hbm>> -> memref<200x128xf32, #tpu.memory_space<hbm>>
      %dma_wait3A_140 = arith.constant 0 : i32
      %dma_wait3A_141 = tpu.memref_slice %arg4[%add3A_137, %dma_wait3A_140] : memref<320000x128xf32, #tpu.memory_space<hbm>> -> memref<200x128xf32, #tpu.memory_space<hbm>>
      tpu.wait_dma2 semaphore(%arg13 : memref<!tpu.dma_semaphore, #tpu.memory_space<semaphore_mem>>) src(%arg7 : memref<200x128xf32, #tpu.memory_space<vmem>>) dst(%dma_wait3A_141 : memref<200x128xf32, #tpu.memory_space<hbm>>)
      %add3A_142 = arith.constant 2 : i32
      %add3A_143 = arith.addi %add3A_120, %add3A_142 : i32
      %mul3A_144 = arith.constant 200 : i32
      %mul3A_145 = arith.muli %add3A_143, %mul3A_144 : i32
      %dma_start3A_146 = tpu.memref_slice %arg5[%mul3A_145] : memref<10000xi32, #tpu.memory_space<vmem>> -> memref<200xi32, #tpu.memory_space<vmem>>
      %dma_start3A_147 = arith.constant 0 : i32
      %dma_start3A_148 = arith.constant 0 : i32
      %dma_start3A_149 = tpu.memref_slice %arg2[%dma_start3A_147, %dma_start3A_148] : memref<10000x128xf32, #tpu.memory_space<hbm>> -> memref<10000x128xf32, #tpu.memory_space<hbm>>
      tpu.enqueue_indirect_dma source(%dma_start3A_149 : memref<10000x128xf32, #tpu.memory_space<hbm>>) target(%arg7 : memref<200x128xf32, #tpu.memory_space<vmem>>) offsets(%dma_start3A_146 : memref<200xi32, #tpu.memory_space<vmem>>) semaphore(%arg10 : memref<!tpu.dma_semaphore, #tpu.memory_space<semaphore_mem>>)
      %add3A_150 = arith.constant 1 : i32
      %add3A_151 = arith.addi %add3A_120, %add3A_150 : i32
      %mul3A_152 = arith.constant 200 : i32
      %mul3A_153 = arith.muli %add3A_151, %mul3A_152 : i32
      %dma_wait3A_154 = tpu.memref_slice %arg5[%mul3A_153] : memref<10000xi32, #tpu.memory_space<vmem>> -> memref<200xi32, #tpu.memory_space<vmem>>
      %dma_wait3A_155 = arith.constant 0 : i32
      %dma_wait3A_156 = arith.constant 0 : i32
      %dma_wait3A_157 = tpu.memref_slice %arg2[%dma_wait3A_155, %dma_wait3A_156] : memref<10000x128xf32, #tpu.memory_space<hbm>> -> memref<10000x128xf32, #tpu.memory_space<hbm>>
      tpu.wait_indirect_dma semaphore(%arg9 : memref<!tpu.dma_semaphore, #tpu.memory_space<semaphore_mem>>) src(%dma_wait3A_157 : memref<10000x128xf32, #tpu.memory_space<hbm>>) dst(%arg6 : memref<200x128xf32, #tpu.memory_space<vmem>>)
      %add3A_158 = arith.constant 1 : i32
      %add3A_159 = arith.addi %add3A_120, %add3A_158 : i32
      %mul3A_160 = arith.constant 200 : i32
      %mul3A_161 = arith.muli %add3A_159, %mul3A_160 : i32
      %add3A_162 = arith.addi %mul3A_2, %mul3A_161 : i32
      %dma_start3A_163 = arith.constant 0 : i32
      %dma_start3A_164 = tpu.memref_slice %arg4[%add3A_162, %dma_start3A_163] : memref<320000x128xf32, #tpu.memory_space<hbm>> -> memref<200x128xf32, #tpu.memory_space<hbm>>
      %dma_start3A_165 = arith.constant 0 : i32
      %dma_start3A_166 = tpu.memref_slice %arg4[%add3A_162, %dma_start3A_165] : memref<320000x128xf32, #tpu.memory_space<hbm>> -> memref<200x128xf32, #tpu.memory_space<hbm>>
      tpu.enqueue_dma source(%arg6 : memref<200x128xf32, #tpu.memory_space<vmem>>) target(%dma_start3A_166 : memref<200x128xf32, #tpu.memory_space<hbm>>) target_semaphore(%arg12 : memref<!tpu.dma_semaphore, #tpu.memory_space<semaphore_mem>>)
      %mul3A_167 = arith.constant 200 : i32
      %mul3A_168 = arith.muli %add3A_120, %mul3A_167 : i32
      %add3A_169 = arith.addi %mul3A_2, %mul3A_168 : i32
      %dma_wait3A_170 = arith.constant 0 : i32
      %dma_wait3A_171 = tpu.memref_slice %arg4[%add3A_169, %dma_wait3A_170] : memref<320000x128xf32, #tpu.memory_space<hbm>> -> memref<200x128xf32, #tpu.memory_space<hbm>>
      %dma_wait3A_172 = arith.constant 0 : i32
      %dma_wait3A_173 = tpu.memref_slice %arg4[%add3A_169, %dma_wait3A_172] : memref<320000x128xf32, #tpu.memory_space<hbm>> -> memref<200x128xf32, #tpu.memory_space<hbm>>
      tpu.wait_dma2 semaphore(%arg14 : memref<!tpu.dma_semaphore, #tpu.memory_space<semaphore_mem>>) src(%arg8 : memref<200x128xf32, #tpu.memory_space<vmem>>) dst(%dma_wait3A_173 : memref<200x128xf32, #tpu.memory_space<hbm>>)
      %add3A_174 = arith.constant 3 : i32
      %add3A_175 = arith.addi %add3A_120, %add3A_174 : i32
      %mul3A_176 = arith.constant 200 : i32
      %mul3A_177 = arith.muli %add3A_175, %mul3A_176 : i32
      %dma_start3A_178 = tpu.memref_slice %arg5[%mul3A_177] : memref<10000xi32, #tpu.memory_space<vmem>> -> memref<200xi32, #tpu.memory_space<vmem>>
      %dma_start3A_179 = arith.constant 0 : i32
      %dma_start3A_180 = arith.constant 0 : i32
      %dma_start3A_181 = tpu.memref_slice %arg2[%dma_start3A_179, %dma_start3A_180] : memref<10000x128xf32, #tpu.memory_space<hbm>> -> memref<10000x128xf32, #tpu.memory_space<hbm>>
      tpu.enqueue_indirect_dma source(%dma_start3A_181 : memref<10000x128xf32, #tpu.memory_space<hbm>>) target(%arg8 : memref<200x128xf32, #tpu.memory_space<vmem>>) offsets(%dma_start3A_178 : memref<200xi32, #tpu.memory_space<vmem>>) semaphore(%arg11 : memref<!tpu.dma_semaphore, #tpu.memory_space<semaphore_mem>>)
      %add3A_182 = arith.constant 2 : i32
      %add3A_183 = arith.addi %add3A_120, %add3A_182 : i32
      %mul3A_184 = arith.constant 200 : i32
      %mul3A_185 = arith.muli %add3A_183, %mul3A_184 : i32
      %dma_wait3A_186 = tpu.memref_slice %arg5[%mul3A_185] : memref<10000xi32, #tpu.memory_space<vmem>> -> memref<200xi32, #tpu.memory_space<vmem>>
      %dma_wait3A_187 = arith.constant 0 : i32
      %dma_wait3A_188 = arith.constant 0 : i32
      %dma_wait3A_189 = tpu.memref_slice %arg2[%dma_wait3A_187, %dma_wait3A_188] : memref<10000x128xf32, #tpu.memory_space<hbm>> -> memref<10000x128xf32, #tpu.memory_space<hbm>>
      tpu.wait_indirect_dma semaphore(%arg10 : memref<!tpu.dma_semaphore, #tpu.memory_space<semaphore_mem>>) src(%dma_wait3A_189 : memref<10000x128xf32, #tpu.memory_space<hbm>>) dst(%arg7 : memref<200x128xf32, #tpu.memory_space<vmem>>)
      %add3A_190 = arith.constant 2 : i32
      %add3A_191 = arith.addi %add3A_120, %add3A_190 : i32
      %mul3A_192 = arith.constant 200 : i32
      %mul3A_193 = arith.muli %add3A_191, %mul3A_192 : i32
      %add3A_194 = arith.addi %mul3A_2, %mul3A_193 : i32
      %dma_start3A_195 = arith.constant 0 : i32
      %dma_start3A_196 = tpu.memref_slice %arg4[%add3A_194, %dma_start3A_195] : memref<320000x128xf32, #tpu.memory_space<hbm>> -> memref<200x128xf32, #tpu.memory_space<hbm>>
      %dma_start3A_197 = arith.constant 0 : i32
      %dma_start3A_198 = tpu.memref_slice %arg4[%add3A_194, %dma_start3A_197] : memref<320000x128xf32, #tpu.memory_space<hbm>> -> memref<200x128xf32, #tpu.memory_space<hbm>>
      tpu.enqueue_dma source(%arg7 : memref<200x128xf32, #tpu.memory_space<vmem>>) target(%dma_start3A_198 : memref<200x128xf32, #tpu.memory_space<hbm>>) target_semaphore(%arg13 : memref<!tpu.dma_semaphore, #tpu.memory_space<semaphore_mem>>)
      %add3A_199 = arith.constant 1 : i32
      %add3A_200 = arith.addi %add3A_120, %add3A_199 : i32
      %mul3A_201 = arith.constant 200 : i32
      %mul3A_202 = arith.muli %add3A_200, %mul3A_201 : i32
      %add3A_203 = arith.addi %mul3A_2, %mul3A_202 : i32
      %dma_wait3A_204 = arith.constant 0 : i32
      %dma_wait3A_205 = tpu.memref_slice %arg4[%add3A_203, %dma_wait3A_204] : memref<320000x128xf32, #tpu.memory_space<hbm>> -> memref<200x128xf32, #tpu.memory_space<hbm>>
      %dma_wait3A_206 = arith.constant 0 : i32
      %dma_wait3A_207 = tpu.memref_slice %arg4[%add3A_203, %dma_wait3A_206] : memref<320000x128xf32, #tpu.memory_space<hbm>> -> memref<200x128xf32, #tpu.memory_space<hbm>>
      tpu.wait_dma2 semaphore(%arg12 : memref<!tpu.dma_semaphore, #tpu.memory_space<semaphore_mem>>) src(%arg6 : memref<200x128xf32, #tpu.memory_space<vmem>>) dst(%dma_wait3A_207 : memref<200x128xf32, #tpu.memory_space<hbm>>)
      %add3A_208 = arith.constant 4 : i32
      %add3A_209 = arith.addi %add3A_120, %add3A_208 : i32
      %mul3A_210 = arith.constant 200 : i32
      %mul3A_211 = arith.muli %add3A_209, %mul3A_210 : i32
      %dma_start3A_212 = tpu.memref_slice %arg5[%mul3A_211] : memref<10000xi32, #tpu.memory_space<vmem>> -> memref<200xi32, #tpu.memory_space<vmem>>
      %dma_start3A_213 = arith.constant 0 : i32
      %dma_start3A_214 = arith.constant 0 : i32
      %dma_start3A_215 = tpu.memref_slice %arg2[%dma_start3A_213, %dma_start3A_214] : memref<10000x128xf32, #tpu.memory_space<hbm>> -> memref<10000x128xf32, #tpu.memory_space<hbm>>
      tpu.enqueue_indirect_dma source(%dma_start3A_215 : memref<10000x128xf32, #tpu.memory_space<hbm>>) target(%arg6 : memref<200x128xf32, #tpu.memory_space<vmem>>) offsets(%dma_start3A_212 : memref<200xi32, #tpu.memory_space<vmem>>) semaphore(%arg9 : memref<!tpu.dma_semaphore, #tpu.memory_space<semaphore_mem>>)
    }
    %scan3A_53 = arith.constant 15 : i32
    %dma_wait3A_54 = arith.constant 9400 : i32
    %dma_wait3A_55 = tpu.memref_slice %arg5[%dma_wait3A_54] : memref<10000xi32, #tpu.memory_space<vmem>> -> memref<200xi32, #tpu.memory_space<vmem>>
    %dma_wait3A_56 = arith.constant 0 : i32
    %dma_wait3A_57 = arith.constant 0 : i32
    %dma_wait3A_58 = tpu.memref_slice %arg2[%dma_wait3A_56, %dma_wait3A_57] : memref<10000x128xf32, #tpu.memory_space<hbm>> -> memref<10000x128xf32, #tpu.memory_space<hbm>>
    tpu.wait_indirect_dma semaphore(%arg11 : memref<!tpu.dma_semaphore, #tpu.memory_space<semaphore_mem>>) src(%dma_wait3A_58 : memref<10000x128xf32, #tpu.memory_space<hbm>>) dst(%arg8 : memref<200x128xf32, #tpu.memory_space<vmem>>)
    %add3A_59 = arith.constant 9400 : i32
    %add3A_60 = arith.addi %mul3A_2, %add3A_59 : i32
    %dma_start3A_61 = arith.constant 0 : i32
    %dma_start3A_62 = tpu.memref_slice %arg4[%add3A_60, %dma_start3A_61] : memref<320000x128xf32, #tpu.memory_space<hbm>> -> memref<200x128xf32, #tpu.memory_space<hbm>>
    %dma_start3A_63 = arith.constant 0 : i32
    %dma_start3A_64 = tpu.memref_slice %arg4[%add3A_60, %dma_start3A_63] : memref<320000x128xf32, #tpu.memory_space<hbm>> -> memref<200x128xf32, #tpu.memory_space<hbm>>
    tpu.enqueue_dma source(%arg8 : memref<200x128xf32, #tpu.memory_space<vmem>>) target(%dma_start3A_64 : memref<200x128xf32, #tpu.memory_space<hbm>>) target_semaphore(%arg14 : memref<!tpu.dma_semaphore, #tpu.memory_space<semaphore_mem>>)
    %add3A_65 = arith.constant 9200 : i32
    %add3A_66 = arith.addi %mul3A_2, %add3A_65 : i32
    %dma_wait3A_67 = arith.constant 0 : i32
    %dma_wait3A_68 = tpu.memref_slice %arg4[%add3A_66, %dma_wait3A_67] : memref<320000x128xf32, #tpu.memory_space<hbm>> -> memref<200x128xf32, #tpu.memory_space<hbm>>
    %dma_wait3A_69 = arith.constant 0 : i32
    %dma_wait3A_70 = tpu.memref_slice %arg4[%add3A_66, %dma_wait3A_69] : memref<320000x128xf32, #tpu.memory_space<hbm>> -> memref<200x128xf32, #tpu.memory_space<hbm>>
    tpu.wait_dma2 semaphore(%arg13 : memref<!tpu.dma_semaphore, #tpu.memory_space<semaphore_mem>>) src(%arg7 : memref<200x128xf32, #tpu.memory_space<vmem>>) dst(%dma_wait3A_70 : memref<200x128xf32, #tpu.memory_space<hbm>>)
    %dma_start3A_71 = arith.constant 9800 : i32
    %dma_start3A_72 = tpu.memref_slice %arg5[%dma_start3A_71] : memref<10000xi32, #tpu.memory_space<vmem>> -> memref<200xi32, #tpu.memory_space<vmem>>
    %dma_start3A_73 = arith.constant 0 : i32
    %dma_start3A_74 = arith.constant 0 : i32
    %dma_start3A_75 = tpu.memref_slice %arg2[%dma_start3A_73, %dma_start3A_74] : memref<10000x128xf32, #tpu.memory_space<hbm>> -> memref<10000x128xf32, #tpu.memory_space<hbm>>
    tpu.enqueue_indirect_dma source(%dma_start3A_75 : memref<10000x128xf32, #tpu.memory_space<hbm>>) target(%arg7 : memref<200x128xf32, #tpu.memory_space<vmem>>) offsets(%dma_start3A_72 : memref<200xi32, #tpu.memory_space<vmem>>) semaphore(%arg10 : memref<!tpu.dma_semaphore, #tpu.memory_space<semaphore_mem>>)
    %dma_wait3A_76 = arith.constant 9600 : i32
    %dma_wait3A_77 = tpu.memref_slice %arg5[%dma_wait3A_76] : memref<10000xi32, #tpu.memory_space<vmem>> -> memref<200xi32, #tpu.memory_space<vmem>>
    %dma_wait3A_78 = arith.constant 0 : i32
    %dma_wait3A_79 = arith.constant 0 : i32
    %dma_wait3A_80 = tpu.memref_slice %arg2[%dma_wait3A_78, %dma_wait3A_79] : memref<10000x128xf32, #tpu.memory_space<hbm>> -> memref<10000x128xf32, #tpu.memory_space<hbm>>
    tpu.wait_indirect_dma semaphore(%arg9 : memref<!tpu.dma_semaphore, #tpu.memory_space<semaphore_mem>>) src(%dma_wait3A_80 : memref<10000x128xf32, #tpu.memory_space<hbm>>) dst(%arg6 : memref<200x128xf32, #tpu.memory_space<vmem>>)
    %add3A_81 = arith.constant 9600 : i32
    %add3A_82 = arith.addi %mul3A_2, %add3A_81 : i32
    %dma_start3A_83 = arith.constant 0 : i32
    %dma_start3A_84 = tpu.memref_slice %arg4[%add3A_82, %dma_start3A_83] : memref<320000x128xf32, #tpu.memory_space<hbm>> -> memref<200x128xf32, #tpu.memory_space<hbm>>
    %dma_start3A_85 = arith.constant 0 : i32
    %dma_start3A_86 = tpu.memref_slice %arg4[%add3A_82, %dma_start3A_85] : memref<320000x128xf32, #tpu.memory_space<hbm>> -> memref<200x128xf32, #tpu.memory_space<hbm>>
    tpu.enqueue_dma source(%arg6 : memref<200x128xf32, #tpu.memory_space<vmem>>) target(%dma_start3A_86 : memref<200x128xf32, #tpu.memory_space<hbm>>) target_semaphore(%arg12 : memref<!tpu.dma_semaphore, #tpu.memory_space<semaphore_mem>>)
    %add3A_87 = arith.constant 9400 : i32
    %add3A_88 = arith.addi %mul3A_2, %add3A_87 : i32
    %dma_wait3A_89 = arith.constant 0 : i32
    %dma_wait3A_90 = tpu.memref_slice %arg4[%add3A_88, %dma_wait3A_89] : memref<320000x128xf32, #tpu.memory_space<hbm>> -> memref<200x128xf32, #tpu.memory_space<hbm>>
    %dma_wait3A_91 = arith.constant 0 : i32
    %dma_wait3A_92 = tpu.memref_slice %arg4[%add3A_88, %dma_wait3A_91] : memref<320000x128xf32, #tpu.memory_space<hbm>> -> memref<200x128xf32, #tpu.memory_space<hbm>>
    tpu.wait_dma2 semaphore(%arg14 : memref<!tpu.dma_semaphore, #tpu.memory_space<semaphore_mem>>) src(%arg8 : memref<200x128xf32, #tpu.memory_space<vmem>>) dst(%dma_wait3A_92 : memref<200x128xf32, #tpu.memory_space<hbm>>)
    %dma_wait3A_93 = arith.constant 9800 : i32
    %dma_wait3A_94 = tpu.memref_slice %arg5[%dma_wait3A_93] : memref<10000xi32, #tpu.memory_space<vmem>> -> memref<200xi32, #tpu.memory_space<vmem>>
    %dma_wait3A_95 = arith.constant 0 : i32
    %dma_wait3A_96 = arith.constant 0 : i32
    %dma_wait3A_97 = tpu.memref_slice %arg2[%dma_wait3A_95, %dma_wait3A_96] : memref<10000x128xf32, #tpu.memory_space<hbm>> -> memref<10000x128xf32, #tpu.memory_space<hbm>>
    tpu.wait_indirect_dma semaphore(%arg10 : memref<!tpu.dma_semaphore, #tpu.memory_space<semaphore_mem>>) src(%dma_wait3A_97 : memref<10000x128xf32, #tpu.memory_space<hbm>>) dst(%arg7 : memref<200x128xf32, #tpu.memory_space<vmem>>)
    %add3A_98 = arith.constant 9800 : i32
    %add3A_99 = arith.addi %mul3A_2, %add3A_98 : i32
    %dma_start3A_100 = arith.constant 0 : i32
    %dma_start3A_101 = tpu.memref_slice %arg4[%add3A_99, %dma_start3A_100] : memref<320000x128xf32, #tpu.memory_space<hbm>> -> memref<200x128xf32, #tpu.memory_space<hbm>>
    %dma_start3A_102 = arith.constant 0 : i32
    %dma_start3A_103 = tpu.memref_slice %arg4[%add3A_99, %dma_start3A_102] : memref<320000x128xf32, #tpu.memory_space<hbm>> -> memref<200x128xf32, #tpu.memory_space<hbm>>
    tpu.enqueue_dma source(%arg7 : memref<200x128xf32, #tpu.memory_space<vmem>>) target(%dma_start3A_103 : memref<200x128xf32, #tpu.memory_space<hbm>>) target_semaphore(%arg13 : memref<!tpu.dma_semaphore, #tpu.memory_space<semaphore_mem>>)
    %add3A_104 = arith.constant 9600 : i32
    %add3A_105 = arith.addi %mul3A_2, %add3A_104 : i32
    %dma_wait3A_106 = arith.constant 0 : i32
    %dma_wait3A_107 = tpu.memref_slice %arg4[%add3A_105, %dma_wait3A_106] : memref<320000x128xf32, #tpu.memory_space<hbm>> -> memref<200x128xf32, #tpu.memory_space<hbm>>
    %dma_wait3A_108 = arith.constant 0 : i32
    %dma_wait3A_109 = tpu.memref_slice %arg4[%add3A_105, %dma_wait3A_108] : memref<320000x128xf32, #tpu.memory_space<hbm>> -> memref<200x128xf32, #tpu.memory_space<hbm>>
    tpu.wait_dma2 semaphore(%arg12 : memref<!tpu.dma_semaphore, #tpu.memory_space<semaphore_mem>>) src(%arg6 : memref<200x128xf32, #tpu.memory_space<vmem>>) dst(%dma_wait3A_109 : memref<200x128xf32, #tpu.memory_space<hbm>>)
    %add3A_110 = arith.constant 9800 : i32
    %add3A_111 = arith.addi %mul3A_2, %add3A_110 : i32
    %dma_wait3A_112 = arith.constant 0 : i32
    %dma_wait3A_113 = tpu.memref_slice %arg4[%add3A_111, %dma_wait3A_112] : memref<320000x128xf32, #tpu.memory_space<hbm>> -> memref<200x128xf32, #tpu.memory_space<hbm>>
    %dma_wait3A_114 = arith.constant 0 : i32
    %dma_wait3A_115 = tpu.memref_slice %arg4[%add3A_111, %dma_wait3A_114] : memref<320000x128xf32, #tpu.memory_space<hbm>> -> memref<200x128xf32, #tpu.memory_space<hbm>>
    tpu.wait_dma2 semaphore(%arg13 : memref<!tpu.dma_semaphore, #tpu.memory_space<semaphore_mem>>) src(%arg7 : memref<200x128xf32, #tpu.memory_space<vmem>>) dst(%dma_wait3A_115 : memref<200x128xf32, #tpu.memory_space<hbm>>)
    return
  }
}

module attributes {stable_mosaic.version = 14 : i64} {
  func.func @_mm_bias_kernel(%arg0: memref<10000x128xf32, #tpu.memory_space<vmem>>, %arg1: memref<128x256xf32, #tpu.memory_space<vmem>>, %arg2: memref<1x128xf32, #tpu.memory_space<vmem>>, %arg3: memref<10000x128xf32, #tpu.memory_space<vmem>>) attributes {dimension_semantics = [], scalar_prefetch = 0 : i64, scratch_operands = 0 : i64, tpu.core_type = #tpu.core_type<tc>} {
    %get3A = arith.constant 0 : index
    %get3A_0 = arith.constant 0 : index
    %get3A_1 = vector.load %arg1[%get3A, %get3A_0] : memref<128x256xf32, #tpu.memory_space<vmem>>, vector<128x128xf32>
    %get3A_2 = arith.constant 0 : index
    %get3A_3 = arith.constant 0 : index
    %get3A_4 = vector.load %arg0[%get3A_2, %get3A_3] : memref<10000x128xf32, #tpu.memory_space<vmem>>, vector<10000x128xf32>
    %dot_general3A = arith.constant dense<0.000000e+00> : vector<10000x128xf32>
    %dot_general3A_5 = tpu.matmul %get3A_4, %get3A_1, %dot_general3A {dimension_numbers = #tpu.dot_dimension_numbers<[1], [1], [0], [0], [0, 0, 1, 0], [], []>, transpose_lhs_hint = false} : vector<10000x128xf32>, vector<128x128xf32>, vector<10000x128xf32> -> vector<10000x128xf32>
    %get3A_6 = arith.constant 0 : index
    %get3A_7 = arith.constant 0 : index
    %get3A_8 = vector.load %arg2[%get3A_6, %get3A_7] : memref<1x128xf32, #tpu.memory_space<vmem>>, vector<1x128xf32>
    %add3A = vector.broadcast %get3A_8 : vector<1x128xf32> to vector<10000x128xf32>
    %add3A_9 = arith.addf %dot_general3A_5, %add3A : vector<10000x128xf32>
    %swap3A = arith.constant 0 : index
    %swap3A_10 = arith.constant 0 : index
    %swap3A_11 = vector.load %arg3[%swap3A, %swap3A_10] : memref<10000x128xf32, #tpu.memory_space<vmem>>, vector<10000x128xf32>
    tpu.vector_store %arg3[%swap3A, %swap3A_10], %add3A_9 {strides = array<i32>} : memref<10000x128xf32, #tpu.memory_space<vmem>>, vector<10000x128xf32>,
    return
  }
}

module attributes {stable_mosaic.version = 14 : i64} {
  func.func @_add_mm_kernel(%arg0: i32, %arg1: memref<8000x128xf32, #tpu.memory_space<vmem>>, %arg2: memref<8000x128xf32, #tpu.memory_space<vmem>>, %arg3: memref<128x256xf32, #tpu.memory_space<vmem>>, %arg4: memref<8000x128xf32, #tpu.memory_space<vmem>>) attributes {dimension_semantics = [#tpu.dimension_semantics<arbitrary>], iteration_bounds = array<i64: 40>, scalar_prefetch = 0 : i64, scratch_operands = 0 : i64, tpu.core_type = #tpu.core_type<tc>, window_params = [{transform_indices = @transform_0, window_bounds = array<i64: 8000, 128>}, {transform_indices = @transform_1, window_bounds = array<i64: 8000, 128>}, {pipeline_mode = #tpu.pipeline_mode<synchronous>, transform_indices = @transform_2, window_bounds = array<i64: 128, 256>}, {transform_indices = @transform_3, window_bounds = array<i64: 8000, 128>}]} {
    %get3A = arith.constant 0 : index
    %get3A_0 = arith.constant 128 : index
    %get3A_1 = vector.load %arg3[%get3A, %get3A_0] : memref<128x256xf32, #tpu.memory_space<vmem>>, vector<128x128xf32>
    %get3A_2 = arith.constant 0 : index
    %get3A_3 = arith.constant 0 : index
    %get3A_4 = vector.load %arg1[%get3A_2, %get3A_3] : memref<8000x128xf32, #tpu.memory_space<vmem>>, vector<8000x128xf32>
    %get3A_5 = arith.constant 0 : index
    %get3A_6 = arith.constant 0 : index
    %get3A_7 = vector.load %arg2[%get3A_5, %get3A_6] : memref<8000x128xf32, #tpu.memory_space<vmem>>, vector<8000x128xf32>
    %dot_general3A = arith.constant dense<0.000000e+00> : vector<8000x128xf32>
    %dot_general3A_8 = tpu.matmul %get3A_7, %get3A_1, %dot_general3A {dimension_numbers = #tpu.dot_dimension_numbers<[1], [1], [0], [0], [0, 0, 1, 0], [], []>, transpose_lhs_hint = false} : vector<8000x128xf32>, vector<128x128xf32>, vector<8000x128xf32> -> vector<8000x128xf32>
    %add3A = arith.addf %get3A_4, %dot_general3A_8 : vector<8000x128xf32>
    %swap3A = arith.constant 0 : index
    %swap3A_9 = arith.constant 0 : index
    %swap3A_10 = vector.load %arg4[%swap3A, %swap3A_9] : memref<8000x128xf32, #tpu.memory_space<vmem>>, vector<8000x128xf32>
    tpu.vector_store %arg4[%swap3A, %swap3A_9], %add3A {strides = array<i32>} : memref<8000x128xf32, #tpu.memory_space<vmem>>, vector<8000x128xf32>,
    return
  }
  func.func @transform_0(%arg0: i32) -> (i32, i32) {
    %c0_i32 = arith.constant 0 : i32
    %c0_i32_0 = arith.constant 0 : i32
    return %arg0, %c0_i32 : i32, i32
  }
  func.func @transform_1(%arg0: i32) -> (i32, i32) {
    %c0_i32 = arith.constant 0 : i32
    %c0_i32_0 = arith.constant 0 : i32
    return %arg0, %c0_i32 : i32, i32
  }
  func.func @transform_2(%arg0: i32) -> (i32, i32) {
    %c0_i32 = arith.constant 0 : i32
    %c0_i32_0 = arith.constant 0 : i32
    %c0_i32_1 = arith.constant 0 : i32
    return %c0_i32, %c0_i32_0 : i32, i32
  }
  func.func @transform_3(%arg0: i32) -> (i32, i32) {
    %c0_i32 = arith.constant 0 : i32
    %c0_i32_0 = arith.constant 0 : i32
    return %arg0, %c0_i32 : i32, i32
  }
}

</mosaic_0001>

<sc_bundles>
// kernel: kernel.5.cloned.1.call-start
scs
__scs_entry_jumppad:
0x0: {  	(pc) =	sbr.rel $0x88, $3  }
0x1: {  	(tag) =	ssettag $0x0;
	lr =	simm.s32 $0x1  }
0x2: {  	[smem:$0x3F9C] =	sst lr;
	_ =	strace $0xD0000000  }
0x3: {  	_ = 	snop  }
0x4: {  	_ = 	snop  }
0x5: {  	_ = 	snop  }
0x6: {  	_ = 	snop  }
0x7: {  	_ = 	snop  }
__scs_overlays_trampoline_lowered:
0x8: {  	[smem:$0x3FAB] =	sst s0  }
0x9: {  	[smem:$0x3FAC] =	sst s1  }
0xa: {  	[smem:$0x3FAD] =	sst s2  }
0xb: {  	[smem:$0x3FAE] =	sst s3  }
0xc: {  	[smem:$0x3FAF] =	sst s4  }
0xd: {  	[smem:$0x3FB0] =	sst s5  }
0xe: {  	[smem:$0x3FB1] =	sst s6  }
0xf: {  	[smem:$0x3FB2] =	sst s7  }
0x10: {  	[smem:$0x3FB3] =	sst s8  }
0x11: {  	[smem:$0x3FB4] =	sst s9;
	s0 =	simm.s32 @!p0 $0x0  }
0x12: {  	s1 =	sld [smem:$0x3F9A];
	s0 =	simm.s32 @p0 $0x1  }
0x13: {  	[smem:$0x3FB5] =	sst s0;
	s0 =	simm.s32 @!p1 $0x0  }
0x14: {  	s2 =	sld [smem:$0x3F99];
	s0 =	simm.s32 @p1 $0x1  }
0x15: {  	[smem:$0x3FB6] =	sst s0;
	s0 =	simm.s32 @!p2 $0x0  }
0x16: {  	s3 =	sld [smem:$0x3FDB];
	s0 =	simm.s32 @p2 $0x1  }
0x17: {  	s4 =	simm.s32 $0x1BF5;
	[smem:$0x3FB8] =	sst s0  }
0x18: {  	s0 =	sld [smem:$0x3F9B];
	_ =	swait.ge [sflag:s4], $0x0  }
0x19: {  	s7 =	sld [smem:$0x3F9C]  }
0x1a: {  	s8 =	sadd.s32 $0xFFFFE003, lr  }
0x1b: {  	s9 =	sadd.s32 $0xFFFFFEF7, lr;
	s5 =	simm.s32 $0xFFFFFFFF;
	p2 =	slt.u32 s8, $0xFFFFF086  }
0x1c: {  	p1 =	slt.u32 s9, $0xF7A;
	s5 =	simm.s32 @!p2 $0x0  }
0x1d: {  	s5 =	simm.s32 @p1 $0x1;
	p0 =	seq.s32 s7, s2  }
0x1e: {  	s7 =	smul.u32 @!p0 $0xF7A, s2;
	p2 =	seq.s32 @!p0 s5, $0x0  }
0x1f: {  	s9 =	smul.u32 $0xF7A, s1;
	s8 =	simm.s32 @!p0 $0x1BF5;
	p2 =	por !p2, p0  }
0x20: {  	[sflag:s8] =	ssyncset.s32 @!p0 $0xFFFFF086;
	s6 =	sadd.s32 @!p0 s3, s7;
	s7 =	simm.s32 @!p0 $0x108  }
0x21: {  	s3 =	sadd.s32 s3, s9;
	s6 =	sadd.s32 @!p0 $0x88, s6;
	s7 =	simm.s32 @p2 $0x1082  }
0x22: {  	[simem:s7], [sflag:s8] =	dma.local @!p0 [hbm:s6], $0xF7A  }
0x23: {  	s9 =	sor.u32 $0xD0000000, s2;
	s6 =	simm.s32 $0x108;
	_ =	swait.ge @!p0 [sflag:s8], $0x0  }
0x24: {  	s3 =	sadd.s32 $0x88, s3;
	s6 =	simm.s32 @!p1 $0x1082;
	[sflag:s4] =	ssyncset.s32 $0xFFFFF086  }
0x25: {  	[simem:s6], [sflag:s4] =	dma.local [hbm:s3], $0xF7A  }
0x26: {  	[smem:$0x3F9C] =	sst s1;
	(tag) =	ssettag s2;
	_ =	strace s9  }
0x27: {  	s1 =	sld [smem:$0x3FAC]  }
0x28: {  	s2 =	sld [smem:$0x3FAD]  }
0x29: {  	s4 =	sld [smem:$0x3FAF]  }
0x2a: {  	p0 =	seq.s32 s5, $0x0;
	s5 =	sld [smem:$0x3FB0]  }
0x2b: {  	s6 =	sld [smem:$0x3FB1]  }
0x2c: {  	s7 =	sld [smem:$0x3FB2]  }
0x2d: {  	s3 =	simm.s32 $0x108;
	s8 =	sld [smem:$0x3FB3]  }
0x2e: {  	s3 =	simm.s32 @!p0 $0x1082;
	s9 =	sld [smem:$0x3FB4]  }
0x2f: {  	lr =	sadd.s32 s0, s3;
	s0 =	sld [smem:$0x3FAB]  }
0x30: {  	s3 =	sld [smem:$0x3FAE]  }
0x31: {  	[smem:$0x3FB7] =	sst s10  }
0x32: {  	s10 =	sld [smem:$0x3FB5];
	_ =	sdelay $0x3  }
0x33: {  	p0 =	seq.s32 s10, $0x1;
	s10 =	sld [smem:$0x3FB7];
	_ =	sdelay $0x3  }
0x34: {  	[smem:$0x3FB7] =	sst s10  }
0x35: {  	s10 =	sld [smem:$0x3FB6];
	_ =	sdelay $0x3  }
0x36: {  	p1 =	seq.s32 s10, $0x1;
	s10 =	sld [smem:$0x3FB7];
	_ =	sdelay $0x3  }
0x37: {  	[smem:$0x3FB7] =	sst s10  }
0x38: {  	s10 =	sld [smem:$0x3FB8]  }
0x39: {  	_ = 	snop;
	(pc) =	sbr.ind lr, $3  }
0x3a: {  	_ = 	snop  }
0x3b: {  	_ = 	snop  }
0x3c: {  	p2 =	seq.s32 s10, $0x1;
	s10 =	sld [smem:$0x3FB7]  }
0x3d: {  	_ =	shalt  }
0x3e: {  	_ =	shalt  }
0x3f: {  	_ =	shalt  }
0x40: {  	_ =	shalt  }
0x41: {  	_ =	shalt  }
0x42: {  	_ =	shalt  }
0x43: {  	_ =	shalt  }
0x44: {  	_ =	shalt  }
0x45: {  	_ =	shalt  }
0x46: {  	_ =	shalt  }
0x47: {  	_ =	shalt  }
0x48: {  	_ =	shalt  }
0x49: {  	_ =	shalt  }
0x4a: {  	_ =	shalt  }
0x4b: {  	_ =	shalt  }
0x4c: {  	_ =	shalt  }
0x4d: {  	_ =	shalt  }
0x4e: {  	_ =	shalt  }
0x4f: {  	_ =	shalt  }
0x50: {  	_ =	shalt  }
0x51: {  	_ =	shalt  }
0x52: {  	_ =	shalt  }
0x53: {  	_ =	shalt  }
0x54: {  	_ =	shalt  }
0x55: {  	_ =	shalt  }
0x56: {  	_ =	shalt  }
0x57: {  	_ =	shalt  }
0x58: {  	_ =	shalt  }
0x59: {  	_ =	shalt  }
0x5a: {  	_ =	shalt  }
0x5b: {  	_ =	shalt  }
0x5c: {  	_ =	shalt  }
0x5d: {  	_ =	shalt  }
0x5e: {  	_ =	shalt  }
0x5f: {  	_ =	shalt  }
0x60: {  	_ =	shalt  }
0x61: {  	_ =	shalt  }
0x62: {  	_ =	shalt  }
0x63: {  	_ =	shalt  }
0x64: {  	_ =	shalt  }
0x65: {  	_ =	shalt  }
0x66: {  	_ =	shalt  }
0x67: {  	_ =	shalt  }
0x68: {  	_ =	shalt  }
0x69: {  	_ =	shalt  }
0x6a: {  	_ =	shalt  }
0x6b: {  	_ =	shalt  }
0x6c: {  	_ =	shalt  }
0x6d: {  	_ =	shalt  }
0x6e: {  	_ =	shalt  }
0x6f: {  	_ =	shalt  }
0x70: {  	_ =	shalt  }
0x71: {  	_ =	shalt  }
0x72: {  	_ =	shalt  }
0x73: {  	_ =	shalt  }
0x74: {  	_ =	shalt  }
0x75: {  	_ =	shalt  }
0x76: {  	_ =	shalt  }
0x77: {  	_ =	shalt  }
0x78: {  	_ =	shalt  }
0x79: {  	_ =	shalt  }
0x7a: {  	_ =	shalt  }
0x7b: {  	_ =	shalt  }
0x7c: {  	_ =	shalt  }
0x7d: {  	_ =	shalt  }
0x7e: {  	_ =	shalt  }
0x7f: {  	_ =	shalt  }
0x80: {  	_ =	shalt  }
0x81: {  	_ =	shalt  }
0x82: {  	_ =	shalt  }
0x83: {  	_ =	shalt  }
0x84: {  	_ =	shalt  }
0x85: {  	_ =	shalt  }
0x86: {  	_ =	shalt  }
0x87: {  	_ =	shalt  }
.Lfunc_end0:
.L_simem_size_0:
called_computation_lowered:
.L_overlay_start_0:
0x88: {  	s2 =	sld [smem:$0x3FD9]  }
0x89: {  	s3 =	sld [smem:$0x3FFE];
	_ =	sdelay $0x1  }
0x8a: {  	s1 =	srdreg.scid  }
0x8b: {  	s0 =	sand.u32 $0x1, s1  }
0x8c: {  	s17 =	sshll.u32 s0, $0xA;
	s2 =	sadd.s32 s3, s2  }
0x8d: {  	s2 =	sadd.s32 s2, s17  }
0x8e: {  	[smem:$0x3FC3] =	sst s2  }
0x8f: {  	_ = 	snop  }
0x90: {  	s2 =	sld [smem:$0x3FC7]  }
0x91: {  	s18 =	sld [smem:$0x3FD0];
	(tm) =	ssettm $0x1  }
0x92: {  	s4 =	sld [smem:$0x3FFB];
	_ =	sdelay $0x3  }
0x93: {  	_ =	strace s4  }
0x94: {  	s4 =	sld [smem:$0x3FFC];
	_ =	sdelay $0x3  }
0x95: {  	_ =	strace s4  }
0x96: {  	s4 =	sld [smem:$0x3FFD];
	_ =	sdelay $0x3  }
0x97: {  	_ =	strace s4  }
0x98: {  	_ =	strace $0x8FFFFFFF  }
0x99: {  	s19 =	sld [smem:$0x3FDB];
	_ =	sdelay $0x1  }
0x9a: {  	s5 =	simm.s32 $_scs_section_size  }
0x9b: {  	s6 =	simm.s32 $_size__tile_overlayer_lowered;
	s7 =	simm.s32 $_tile_overlayer_lowered  }
0x9c: {  	s22 =	simm.s32 $0x1BFF;
	s21 =	sshll.u32 s7, $0x1;
	s4 =	sadd.s32 s5, s19  }
0x9d: {  	s8 =	simm.s32 $0x0;
	s20 =	sshll.u32 s6, $0x1;
	s6 =	sadd.s32 s21, s4  }
0x9e: {  	[timem:s8], [sflag:s22] =	dma.local [hbm:s6], s20  }
0x9f: {  	_ =	swait.ge [sflag:s22], s20  }
0xa0: {  	s5 =	ssub.s32 $0x0, s20;
	[sflag:s22] =	ssyncset.done $0x0  }
0xa1: {  	[sflag:s22] =	ssyncadd.s32 s5;
	_ =	sdelay $0x1  }
0xa2: {  	s23 =	simm.s32 $0x1B8B  }
0xa3: {  	_ =	swait.ge [sflag:s23], $0x1  }
0xa4: {  	[sflag:s23] =	ssyncset.done $0x0  }
0xa5: {  	s25 =	simm.s32 $0x1B8E;
	s24 =	sld [smem:$0x3FFE];
	[sflag:s23] =	ssyncadd.s32 $0xFFFFFFFF  }
0xa6: {  	s26 =	simm.s32 $execute0_lowered;
	[smem:$0x3FD2] =	sst s25  }
0xa7: {  	s6 =	sshll.u32 s26, $0x1;
	_ =	strace $0x80000046;
	[dreg:$0x1] =	wrdreg $0xFFFFFFFF  }
0xa8: {  	s28 =	simm.s32 $_size_execute0_lowered;
	s4 =	sadd.s32 s4, s6;
	[dreg:$0x0] =	wrdreg $0x0  }
0xa9: {  	s6 =	sshll.u32 s28, $0x1;
	[dreg:$0x2] =	wrdreg s4  }
0xaa: {  	[dreg:$0x3] =	wrdreg s6  }
0xab: {  	[dreg:$0x4] =	wrdreg $0xC0  }
0xac: {  	_ =	task [dreg:s8], $0x5FFFF  }
0xad: {  	[dreg:$0x1] =	wrdreg $0xFFFFFFFF  }
0xae: {  	[dreg:$0x0] =	wrdreg $0x60  }
0xaf: {  	[dreg:$0x2] =	wrdreg s18  }
0xb0: {  	[dreg:$0x3] =	wrdreg s2  }
0xb1: {  	[dreg:$0x4] =	wrdreg s24  }
0xb2: {  	[dreg:$0x5] =	wrdreg $0x9  }
0xb3: {  	_ =	task.clear_ibuf [dreg:s8], $0x6FFFF;
	_ =	strace $0x90000046  }
0xb4: {  	s29 =	simm.s32 $0x9;
	_ =	strace $0x80000048  }
0xb5: {  	_ =	swait.ge [sflag:s29], $0x1  }
0xb6: {  	[sflag:s29] =	ssyncadd.s32 $0xFFFFFFFF  }
0xb7: {  	_ =	strace $0x90000048  }
0xb8: {  	_ =	sfence  }
0xb9: {  	s30 =	sld [smem:$0x0];
	_ =	sdelay $0x2  }
0xba: {  	s31 =	sshll.u32 s1, $0xD;
	s1 =	sshrl.u32 s1, $0x2  }
0xbb: {  	s3 =	sand.u32 $0x4000, s31;
	s1 =	sadd.s32 s1, s30  }
0xbc: {  	s0 =	sor.u32 s3, s0;
	s1 =	sshll.u32 s1, $0x11  }
0xbd: {  	s0 =	sor.u32 s1, s0  }
0xbe: {  	s0 =	sadd.s32 $0x8F2B, s0  }
0xbf: {  	[sflag:s0] =	ssyncadd.remote.s32 $0x1  }
0xc0: {  	_ =	sfence.sel $0xFFFF  }
0xc1: {  	[dreg:$0x0] =	wrdreg $0xFFFFFFFF;
	(pc) =	sbr.abs _section_cstart, $3  }
0xc2: {  	[dreg:$0x1] =	wrdreg $0xFFFFFFFF  }
0xc3: {  	_ =	task.clear_ibuf [dreg:s8], $0x2FFFF;
	_ =	strace $0x9FFFFFFF  }
0xc4: {  	(tm) =	ssettm $0x7FFFFFFF  }
0xc5: {  	_ =	shalt  }
tec
execute0_lowered:
.L_overlay_start_1:
0x0: {  	(tag) =	ssettag $0x1  }
0x1: {  	s1 =	rddreg [dreg:$0x0]  }
0x2: {  	s4 =	rddreg [dreg:$0x1]  }
0x3: {  	s2 =	srdreg.scid;
	s0 =	stileid.u32  }
0x4: {  	s5 =	rddreg [dreg:$0x2];
	s3 =	simm.s32 $0x0;
	s14 =	simm.s32 $0x2780  }
0x5: {  	s15 =	simm.s32 $0x8B80;
	s16 =	simm.s32 $0x1;
	s17 =	simm.s32 $0x190  }
0x6: {  	s18 =	simm.s32 $0xEF80;
	s19 =	simm.s32 $0x2;
	s20 =	simm.s32 $0x4  }
0x7: {  	s21 =	simm.s32 $0x258;
	s22 =	simm.s32 $0x3;
	s23 =	simm.s32 $0x5  }
0x8: {  	s24 =	simm.s32 $0x6;
	s6 =	sand.u32 $0x1, s2;
	s7 =	sshll.u32 s0, $0x1  }
0x9: {  	s25 =	simm.s32 $0x2648;
	s31 =	smul.u32 $0x4E200, s0;
	s7 =	sor.u32 s6, s7  }
0xa: {  	s26 =	simm.s32 $0x0;
	s2 =	rddreg [dreg:$0x3];
	s9 =	smul.u32 $0x2710, s7  }
0xb: {  	[smem:$0x7FF] =	sst s3;
	s8 =	ssub.s32 $0x2, s6;
	s11 =	smul.u32 $0x138800, s7  }
0xc: {  	s12 =	sadd.s32 $0xE00, s5;
	s10 =	sshrl.u32 s8, $0x1;
	s28 =	smul.u32 $0x27100, s7  }
0xd: {  	_ =	strace $0x80000047;
	s13 =	smul.u32 $0x27100, s6;
	s10 =	ssub.s32 s8, s10  }
0xe: {  	s29 =	sshrl.u32 s9, $0x3;
	s30 =	sshrl.u32 s11, $0x3;
	s5 =	sadd.s32 s12, s28  }
0xf: {  	s9 =	sadd.s32 s31, s12;
	s10 =	smax.u32 s10, $0x1;
	s4 =	sadd.s32 s4, s29  }
0x10: {  	s11 =	sadd.s32 s12, s30;
	s12 =	sadd.s32 s13, s9;
	s13 =	simm.s32 $0xC8  }
0x11: {  	s6 =	sadd.s32 $0xC80, s11;
	s7 =	sadd.s32 $0x24B80, s11;
	s8 =	sadd.s32 $0x25800, s11  }
0x12: {  	s9 =	sadd.s32 $0x26480, s11;
	s11 =	sadd.s32 $0x1900, s12;
	s12 =	simm.s32 $0x7  }
.LBB2_1:
0x13: {  	[tilespmem:s3], [sflag:$0x7] =	stream.linear.gather [hbm4b:s4+s3], $0x2710, $0x38;
	[tilespmem:$0x15380] =	vst v63  }
0x14: {  	_ =	swait.ge [sflag:s12], $0x2710  }
0x15: {  	[sflag:s12] =	ssyncset.done $0x0  }
0x16: {  	[sflag:s12] =	ssyncadd.s32 $0xFFFFD8F0  }
0x17: {  	[tilespmem:s14], [sflag:$0x1] =	stream.indirect.gather [hbm4b:s1+s13], $0x80, s3, s13, $0xb8;
	[tilespmem:$0x15380] =	vst v63  }
0x18: {  	_ = 	snop  }
0x19: {  	[tilespmem:s15], [sflag:$0x2] =	stream.indirect.gather [hbm4b:s1+s13], $0x80, s13, s13, $0xb8;
	[tilespmem:$0x15380] =	vst v63  }
0x1a: {  	_ =	swait.ge [sflag:s16], $0x6400  }
0x1b: {  	[sflag:s16] =	ssyncset.done $0x0  }
0x1c: {  	[sflag:s16] =	ssyncadd.s32 $0xFFFF9C00  }
0x1d: {  	[hbm4b:s5+s3] =	stream.linear.scatter [tilespmem:s14], [sflag:$0x4], $0x6400, $0x38;
	[tilespmem:$0x15380] =	vst v63  }
0x1e: {  	_ = 	snop  }
0x1f: {  	[tilespmem:s18], [sflag:$0x3] =	stream.indirect.gather [hbm4b:s1+s13], $0x80, s17, s13, $0xb8;
	[tilespmem:$0x15380] =	vst v63  }
0x20: {  	_ =	swait.ge [sflag:s19], $0x6400  }
0x21: {  	[sflag:s19] =	ssyncset.done $0x0  }
0x22: {  	[sflag:s19] =	ssyncadd.s32 $0xFFFF9C00  }
0x23: {  	[hbm4b:s6+s3] =	stream.linear.scatter [tilespmem:s15], [sflag:$0x5], $0x6400, $0x38;
	[tilespmem:$0x15380] =	vst v63  }
0x24: {  	_ =	swait.ge [sflag:s20], $0x6400  }
0x25: {  	[sflag:s20] =	ssyncset.done $0x0  }
0x26: {  	[sflag:s20] =	ssyncadd.s32 $0xFFFF9C00  }
0x27: {  	[tilespmem:s14], [sflag:$0x1] =	stream.indirect.gather [hbm4b:s1+s13], $0x80, s21, s13, $0xb8;
	[tilespmem:$0x15380] =	vst v63  }
0x28: {  	_ =	swait.ge [sflag:s22], $0x6400  }
0x29: {  	[sflag:s22] =	ssyncset.done $0x0  }
0x2a: {  	[sflag:s22] =	ssyncadd.s32 $0xFFFF9C00  }
0x2b: {  	[hbm4b:s11+s3] =	stream.linear.scatter [tilespmem:s18], [sflag:$0x6], $0x6400, $0x38;
	[tilespmem:$0x15380] =	vst v63  }
0x2c: {  	_ =	swait.ge [sflag:s23], $0x6400  }
0x2d: {  	[sflag:s23] =	ssyncset.done $0x0  }
0x2e: {  	s28 =	simm.s32 $0x320;
	[sflag:s23] =	ssyncadd.s32 $0xFFFF9C00  }
0x2f: {  	[tilespmem:s15], [sflag:$0x2] =	stream.indirect.gather [hbm4b:s1+s13], $0x80, s28, s13, $0xb8;
	[tilespmem:$0x15380] =	vst v63  }
0x30: {  	_ =	swait.ge [sflag:s16], $0x6400  }
0x31: {  	[sflag:s16] =	ssyncset.done $0x0  }
0x32: {  	s28 =	sadd.s32 $0xC80, s11;
	[sflag:s16] =	ssyncadd.s32 $0xFFFF9C00  }
0x33: {  	[hbm4b:s28+s3] =	stream.linear.scatter [tilespmem:s14], [sflag:$0x4], $0x6400, $0x38;
	[tilespmem:$0x15380] =	vst v63  }
0x34: {  	_ =	swait.ge [sflag:s24], $0x6400  }
0x35: {  	[sflag:s24] =	ssyncset.done $0x0  }
0x36: {  	s28 =	simm.s32 $0x3E8;
	[sflag:s24] =	ssyncadd.s32 $0xFFFF9C00  }
0x37: {  	[tilespmem:s18], [sflag:$0x3] =	stream.indirect.gather [hbm4b:s1+s13], $0x80, s28, s13, $0xb8;
	[tilespmem:$0x15380] =	vst v63  }
0x38: {  	_ =	swait.ge [sflag:s19], $0x6400  }
0x39: {  	[sflag:s19] =	ssyncset.done $0x0  }
0x3a: {  	s28 =	sadd.s32 $0x1900, s11;
	[sflag:s19] =	ssyncadd.s32 $0xFFFF9C00  }
0x3b: {  	[hbm4b:s28+s3] =	stream.linear.scatter [tilespmem:s15], [sflag:$0x5], $0x6400, $0x38;
	[tilespmem:$0x15380] =	vst v63  }
0x3c: {  	_ =	swait.ge [sflag:s20], $0x6400  }
0x3d: {  	s30 =	simm.s32 $0x4B0;
	[sflag:s20] =	ssyncset.done $0x0  }
0x3e: {  	s29 =	sadd.s32 $0x2580, s11;
	s28 =	simm.s32 $0x960;
	[sflag:s20] =	ssyncadd.s32 $0xFFFF9C00  }
.LBB2_2:
0x3f: {  	[tilespmem:s14], [sflag:$0x1] =	stream.indirect.gather [hbm4b:s1+s13], $0x80, s30, s13, $0xb8;
	[tilespmem:$0x15380] =	vst v63  }
0x40: {  	s30 =	smov.u32 s28  }
0x41: {  	p0 =	sne.s32 s28, $0x8340;
	s28 =	sadd.s32 $0x960, s28;
	_ =	swait.ge [sflag:s22], $0x6400  }
0x42: {  	[sflag:s22] =	ssyncset.done $0x0  }
0x43: {  	[sflag:s22] =	ssyncadd.s32 $0xFFFF9C00  }
0x44: {  	[hbm4b:s29+s3] =	stream.linear.scatter [tilespmem:s18], [sflag:$0x6], $0x6400, $0x38;
	[tilespmem:$0x15380] =	vst v63  }
0x45: {  	_ =	swait.ge [sflag:s23], $0x6400  }
0x46: {  	s30 =	sshra.s32 s30, $0x2;
	[sflag:s23] =	ssyncset.done $0x0  }
0x47: {  	s31 =	sadd.s32 $0x320, s30;
	[sflag:s23] =	ssyncadd.s32 $0xFFFF9C00  }
0x48: {  	[tilespmem:s15], [sflag:$0x2] =	stream.indirect.gather [hbm4b:s1+s13], $0x80, s31, s13, $0xb8;
	[tilespmem:$0x15380] =	vst v63  }
0x49: {  	_ =	swait.ge [sflag:s16], $0x6400  }
0x4a: {  	[sflag:s16] =	ssyncset.done $0x0  }
0x4b: {  	s31 =	sadd.s32 $0xC80, s29;
	[sflag:s16] =	ssyncadd.s32 $0xFFFF9C00  }
0x4c: {  	[hbm4b:s31+s3] =	stream.linear.scatter [tilespmem:s14], [sflag:$0x4], $0x6400, $0x38;
	[tilespmem:$0x15380] =	vst v63  }
0x4d: {  	_ =	swait.ge [sflag:s24], $0x6400  }
0x4e: {  	[sflag:s24] =	ssyncset.done $0x0  }
0x4f: {  	s31 =	sadd.s32 $0x3E8, s30;
	[sflag:s24] =	ssyncadd.s32 $0xFFFF9C00  }
0x50: {  	[tilespmem:s18], [sflag:$0x3] =	stream.indirect.gather [hbm4b:s1+s13], $0x80, s31, s13, $0xb8;
	[tilespmem:$0x15380] =	vst v63  }
0x51: {  	_ =	swait.ge [sflag:s19], $0x6400  }
0x52: {  	[sflag:s19] =	ssyncset.done $0x0  }
.Ltmp0:
0x53: {  	s31 =	sadd.s32 $0x1900, s29;
	[sflag:s19] =	ssyncadd.s32 $0xFFFF9C00;
	(pc) =	sbr.rel @p0 .LBB2_2-.Ltmp0, $4  }
0x54: {  	[hbm4b:s31+s3] =	stream.linear.scatter [tilespmem:s15], [sflag:$0x5], $0x6400, $0x38;
	[tilespmem:$0x15380] =	vst v63  }
0x55: {  	_ =	swait.ge [sflag:s20], $0x6400  }
0x56: {  	[sflag:s20] =	ssyncset.done $0x0  }
0x57: {  	s30 =	sadd.s32 $0x4B0, s30;
	s29 =	sadd.s32 $0x2580, s29;
	[sflag:s20] =	ssyncadd.s32 $0xFFFF9C00  }
0x58: {  	[tilespmem:s14], [sflag:$0x1] =	stream.indirect.gather [hbm4b:s1+s13], $0x80, s30, s13, $0xb8;
	[tilespmem:$0x15380] =	vst v63  }
0x59: {  	_ =	swait.ge [sflag:s22], $0x6400  }
0x5a: {  	[sflag:s22] =	ssyncset.done $0x0  }
0x5b: {  	[sflag:s22] =	ssyncadd.s32 $0xFFFF9C00  }
0x5c: {  	[hbm4b:s7+s3] =	stream.linear.scatter [tilespmem:s18], [sflag:$0x6], $0x6400, $0x38;
	[tilespmem:$0x15380] =	vst v63  }
0x5d: {  	_ =	swait.ge [sflag:s23], $0x6400  }
0x5e: {  	[sflag:s23] =	ssyncset.done $0x0  }
0x5f: {  	[sflag:s23] =	ssyncadd.s32 $0xFFFF9C00  }
0x60: {  	[tilespmem:s15], [sflag:$0x2] =	stream.indirect.gather [hbm4b:s1+s13], $0x80, s25, s13, $0xb8;
	[tilespmem:$0x15380] =	vst v63  }
0x61: {  	_ =	swait.ge [sflag:s16], $0x6400  }
0x62: {  	[sflag:s16] =	ssyncset.done $0x0  }
0x63: {  	[sflag:s16] =	ssyncadd.s32 $0xFFFF9C00  }
0x64: {  	[hbm4b:s8+s3] =	stream.linear.scatter [tilespmem:s14], [sflag:$0x4], $0x6400, $0x38;
	[tilespmem:$0x15380] =	vst v63  }
0x65: {  	_ =	swait.ge [sflag:s24], $0x6400  }
0x66: {  	[sflag:s24] =	ssyncset.done $0x0  }
0x67: {  	[sflag:s24] =	ssyncadd.s32 $0xFFFF9C00  }
0x68: {  	_ =	swait.ge [sflag:s19], $0x6400  }
0x69: {  	[sflag:s19] =	ssyncset.done $0x0  }
0x6a: {  	s26 =	sadd.s32 $0x1, s26;
	[sflag:s19] =	ssyncadd.s32 $0xFFFF9C00  }
0x6b: {  	[hbm4b:s9+s3] =	stream.linear.scatter [tilespmem:s15], [sflag:$0x5], $0x6400, $0x38;
	[tilespmem:$0x15380] =	vst v63  }
0x6c: {  	p0 =	sne.s32 s26, s10;
	_ =	swait.ge [sflag:s20], $0x6400  }
.Ltmp1:
0x6d: {  	[sflag:s20] =	ssyncset.done $0x0;
	(pc) =	sbr.rel @p0 .LBB2_1-.Ltmp1, $4  }
0x6e: {  	[sflag:s20] =	ssyncadd.s32 $0xFFFF9C00  }
0x6f: {  	_ =	swait.ge [sflag:s23], $0x6400  }
0x70: {  	[sflag:s23] =	ssyncset.done $0x0  }
0x71: {  	[sflag:s23] =	ssyncadd.s32 $0xFFFF9C00  }
0x72: {  	_ =	sfence.sel $0x180000  }
0x73: {  	[bflag:$0x0] =	sbarrier.arrive $0xFFFF  }
0x74: {  	p0 =	sne.s32 s0, $0x0;
	_ =	strace $0x90000047  }
0x75: {  	s0 =	sadd.s32 @!p0 $0x100000, s2;
	[bflag:$0x2] =	sbarrier.arrive $0xFFFF  }
0x76: {  	[sflag:s0] =	ssyncadd.tile.s32 @!p0 $0x1;
	_ =	shalt  }
.Lfunc_end2:
_tile_overlayer_lowered:
.L_overlay_start_2:
0x77: {  	(tag) =	ssettag $0x2  }
0x78: {  	s0 =	rddreg [dreg:$0x0];
	s2 =	stileid.u32  }
0x79: {  	s1 =	rddreg [dreg:$0x1];
	p0 =	sne.s32 s2, $0x0  }
0x7a: {  	s3 =	rddreg [dreg:$0x2];
	[bflag:$0x3] =	sbarrier.arrive $0xFFFF;
	s2 =	simm.s32 @!p0 $0x1C07  }
0x7b: {  	[timem:s3], [sflag:s2] =	dma.local @!p0 [hbm:s0], s1  }
0x7c: {  	s0 =	simm.s32 @!p0 $0x7  }
0x7d: {  	_ =	swait.ge @!p0 [sflag:s0], s1  }
0x7e: {  	s1 =	ssub.s32 @!p0 $0x0, s1;
	[sflag:s0] =	ssyncset.done @!p0 $0x0  }
0x7f: {  	[sflag:s0] =	ssyncadd.s32 @!p0 s1  }
0x80: {  	[bflag:$0x3] =	sbarrier.arrive $0xFFFF  }
0x81: {  	_ =	shalt  }

</sc_bundles>
